<compile_context>
chip_gen: v7x
topology: tpu7x:2x2x1
jax: 0.10.2.dev20260603
libtpu: 0.0.44.dev20260713+nightly
codegen_flags: <defaults>
</compile_context>

<pallas_src>
import functools

import jax
import jax.numpy as jnp
from jax import lax
from jax.experimental import pallas as pl
from jax.experimental.pallas import tpu as pltpu
from jax.experimental.pallas import tpu_sc as plsc

HEAD_DIM = 128
BLOCK_DIM = 8
N_BLOCKS = HEAD_DIM // BLOCK_DIM
N_CENTROIDS = 256
NC_ALL = N_BLOCKS * N_CENTROIDS

_DEFAULT = jax.lax.Precision.DEFAULT
_CHUNKS = 2
_ROW_PAD = 128


def _vq_idx_body(kf_ref, we_ref, wcn_ref, wia_ref, c2_ref, idx_ref):
    we = we_ref[...]
    wcn = wcn_ref[...]
    wia = wia_ref[...]
    c2 = c2_ref[...]
    t = kf_ref.shape[0]
    ch = t // _CHUNKS
    for s in range(_CHUNKS):
        rows = pl.ds(s * ch, ch)
        ks = jax.lax.dot_general(
            kf_ref[rows, :].astype(jnp.bfloat16), we, (((1,), (0,)), ((), ())),
            precision=_DEFAULT, preferred_element_type=jnp.float32)
        crossn = jax.lax.dot_general(
            ks.astype(jnp.bfloat16), wcn, (((1,), (0,)), ((), ())),
            precision=_DEFAULT, preferred_element_type=jnp.float32)
        d2 = c2 + crossn
        hot_parts = []
        for b in range(N_BLOCKS):
            d2_b = d2[:, b * N_CENTROIDS:(b + 1) * N_CENTROIDS]
            m_b = jnp.min(d2_b, axis=1, keepdims=True)
            hot_parts.append((d2_b <= m_b).astype(jnp.bfloat16))
        onehot = jnp.concatenate(hot_parts, axis=1)
        fused = jax.lax.dot_general(
            onehot, wia, (((1,), (0,)), ((), ())),
            precision=_DEFAULT, preferred_element_type=jnp.float32)
        idx_ref[rows, :] = fused.astype(jnp.int32)


def _sc_gather(table16, gidx):
    nb = gidx.shape[0]
    n_workers = 32
    b_per_w = nb // n_workers
    chunk = 128
    mesh = plsc.VectorSubcoreMesh(core_axis_name="c", subcore_axis_name="s")

    @functools.partial(
        pl.kernel, mesh=mesh,
        out_type=jax.ShapeDtypeStruct((nb, _ROW_PAD), jnp.float32),
        scratch_types=[
            pltpu.VMEM((chunk,), jnp.int32),
            pltpu.VMEM((chunk, _ROW_PAD), jnp.float32),
            pltpu.SemaphoreType.DMA,
        ],
    )
    def k(table_hbm, idx_hbm, out_hbm, idx_v, rows_v, sem):
        wid = lax.axis_index("s") * 2 + lax.axis_index("c")
        base = wid * b_per_w

        @pl.loop(0, b_per_w, step=chunk)
        def _(off):
            pltpu.sync_copy(idx_hbm.at[pl.ds(base + off, chunk)], idx_v)
            pltpu.async_copy(table_hbm.at[idx_v], rows_v, sem).wait()
            pltpu.sync_copy(rows_v, out_hbm.at[pl.ds(base + off, chunk)])

    return k(table16, gidx)


def kernel(k, E_blocks, centroids, decoded_centroids):
    batch_shape = k.shape[:-1]
    kf = k.reshape(-1, HEAD_DIM).astype(jnp.float32)
    n = kf.shape[0]

    eye = jnp.eye(N_BLOCKS, dtype=jnp.float32)
    we = (eye[:, None, :, None] * jnp.swapaxes(E_blocks, 1, 2)[:, :, None, :]
          ).reshape(HEAD_DIM, HEAD_DIM).astype(jnp.bfloat16)
    wcn = (eye[:, None, :, None]
           * (-2.0 * jnp.swapaxes(centroids, 1, 2))[:, :, None, :]
           ).reshape(HEAD_DIM, NC_ALL).astype(jnp.bfloat16)
    wia = (eye[:, None, :]
           * jnp.arange(N_CENTROIDS, dtype=jnp.float32)[None, :, None]
           ).reshape(NC_ALL, N_BLOCKS).astype(jnp.bfloat16)
    c2 = jnp.sum(centroids * centroids, axis=-1).reshape(1, NC_ALL)
    table16 = jnp.pad(decoded_centroids.reshape(NC_ALL, BLOCK_DIM),
                      ((0, 0), (0, _ROW_PAD - BLOCK_DIM)))

    tile = 2048
    grid = (n // tile,)
    idx = pl.pallas_call(
        _vq_idx_body,
        grid=grid,
        in_specs=[
            pl.BlockSpec((tile, HEAD_DIM), lambda i: (i, 0)),
            pl.BlockSpec((HEAD_DIM, HEAD_DIM), lambda i: (0, 0)),
            pl.BlockSpec((HEAD_DIM, NC_ALL), lambda i: (0, 0)),
            pl.BlockSpec((NC_ALL, N_BLOCKS), lambda i: (0, 0)),
            pl.BlockSpec((1, NC_ALL), lambda i: (0, 0)),
        ],
        out_specs=pl.BlockSpec((tile, N_BLOCKS), lambda i: (i, 0)),
        out_shape=jax.ShapeDtypeStruct((n, N_BLOCKS), jnp.int32),
    )(kf, we, wcn, wia, c2)

    gidx = (idx + (jnp.arange(N_BLOCKS, dtype=jnp.int32) * N_CENTROIDS)[None, :]
            ).reshape(-1)
    rows16 = _sc_gather(table16, gidx)
    khat = rows16[:, :BLOCK_DIM].reshape(*batch_shape, HEAD_DIM)

    return (idx.reshape(*batch_shape, N_BLOCKS), khat)

# --- scband reference (transcript-rebuilt; emitter-appended) ---
"""Pipeline reference for scband-smaqblock-vq-17360257810703 (READ-ONLY COPY).

The authoritative reference and input builder live on the scoring server;
editing this copy changes nothing except your own understanding.
"""

import jax, jax.numpy as jnp
import numpy as np

HEAD_DIM = 128
BLOCK_DIM = 8
N_BLOCKS = HEAD_DIM // BLOCK_DIM
N_CENTROIDS = 256


def setup_inputs(seed: int = 0) -> dict:
    key = jax.random.key(seed)
    k1, k2, k3, k4 = jax.random.split(key, 4)
    k = jax.random.normal(k1, (8, 2048, HEAD_DIM), dtype=jnp.float32)
    # Calibrated buffers (would normally come from fit()); random but well-conditioned.
    E_blocks = jnp.eye(BLOCK_DIM, dtype=jnp.float32)[None, :, :] + 0.3 * jax.random.normal(k2, (N_BLOCKS, BLOCK_DIM, BLOCK_DIM), dtype=jnp.float32)
    centroids = jax.random.normal(k3, (N_BLOCKS, N_CENTROIDS, BLOCK_DIM), dtype=jnp.float32)
    decoded_centroids = jax.random.normal(k4, (N_BLOCKS, N_CENTROIDS, BLOCK_DIM), dtype=jnp.float32)
    return {"k": k, "E_blocks": E_blocks, "centroids": centroids, "decoded_centroids": decoded_centroids}


def reference(k, E_blocks, centroids, decoded_centroids):
    # quantize: per-block metric transform E @ k_block, nearest centroid search
    batch_shape = k.shape[:-1]
    kf = k.reshape(-1, N_BLOCKS, BLOCK_DIM).astype(jnp.float32)
    # k_shaped[n, b, j] = sum_d kf[n, b, d] * E_blocks[b, j, d]  (== k_block @ E.T)
    k_shaped = jnp.einsum('nbd,bjd->nbj', kf, E_blocks)
    # squared euclidean distances to centroids (argmin of squared == argmin of cdist)
    ks2 = jnp.sum(k_shaped * k_shaped, axis=-1)[:, :, None]          # (N, B, 1)
    c2 = jnp.sum(centroids * centroids, axis=-1)[None, :, :]         # (1, B, C)
    cross = jnp.einsum('nbj,bcj->nbc', k_shaped, centroids)          # (N, B, C)
    d2 = ks2 + c2 - 2.0 * cross
    idx = jnp.argmin(d2, axis=-1)                                    # (N, n_blocks) int
    # dequantize: pure table lookup of pre-decoded centroids
    k_hat = decoded_centroids[jnp.arange(N_BLOCKS)[None, :], idx]    # (N, n_blocks, block_dim)
    k_hat = k_hat.reshape(*batch_shape, HEAD_DIM)
    indices = idx.reshape(*batch_shape, N_BLOCKS)
    return (indices, k_hat)

if __name__ == "__main__":
    import jax
    _d = setup_inputs()
    print(jax.jit(kernel)(*tuple(_d.values())))

</pallas_src>

<mosaic_0001>
#map = affine_map<(d0, d1) -> (0, 0)>
#map1 = affine_map<(d0, d1) -> (0)>
module attributes {stable_mosaic.version = 14 : i64} {
  func.func @k(%arg0: i32, %arg1: i32, %arg2: memref<4096x128xf32, #tpu.memory_space<hbm>>, %arg3: memref<262144xi32, #tpu.memory_space<hbm>>, %arg4: memref<262144x128xf32, #tpu.memory_space<hbm>>, %arg5: memref<128xi32, #tpu.memory_space<vmem>>, %arg6: memref<128x128xf32, #tpu.memory_space<vmem>>, %arg7: memref<!tpu.dma_semaphore, #tpu.memory_space<semaphore_mem>>) attributes {dimension_semantics = [#tpu.dimension_semantics<core_parallel>, #tpu.dimension_semantics<subcore_parallel>], iteration_bounds = array<i64: 2, 16>, scalar_prefetch = 0 : i64, scratch_operands = 3 : i64, tpu.core_type = #tpu.core_type<sc_vector_subcore>, window_params = [{transform_indices = #map}, {transform_indices = #map1}, {transform_indices = #map}]} {
    %mul3A = arith.constant 2 : i32
    %mul3A_0 = arith.muli %arg1, %mul3A : i32
    %add3A = arith.addi %mul3A_0, %arg0 : i32
    %mul3A_1 = arith.constant 8192 : i32
    %mul3A_2 = arith.muli %add3A, %mul3A_1 : i32
    %scan3A = arith.constant 0 : i32
    %scan3A_3 = arith.constant 64 : i32
    %scan3A_4 = arith.addi %scan3A, %scan3A_3 : i32
    %scan3A_5 = arith.constant 1 : i32
    scf.for %scan3A_7 = %scan3A to %scan3A_4 step %scan3A_5  : i32 {
      %mul3A_8 = arith.constant 128 : i32
      %mul3A_9 = arith.muli %scan3A_7, %mul3A_8 : i32
      %add3A_10 = arith.constant 0 : i32
      %add3A_11 = arith.addi %add3A_10, %mul3A_9 : i32
      %add3A_12 = arith.addi %mul3A_2, %add3A_11 : i32
      "tpu.region"() ({
        %run_scoped3A = tpu.sem_alloc : memref<!tpu.dma_semaphore, #tpu.memory_space<semaphore_mem>>
        %dma_start3A_18 = tpu.memref_slice %arg3[%add3A_12] : memref<262144xi32, #tpu.memory_space<hbm>> -> memref<128xi32, #tpu.memory_space<hbm>>
        %dma_start3A_19 = tpu.memref_slice %arg3[%add3A_12] : memref<262144xi32, #tpu.memory_space<hbm>> -> memref<128xi32, #tpu.memory_space<hbm>>
        tpu.enqueue_dma source(%dma_start3A_19 : memref<128xi32, #tpu.memory_space<hbm>>) target(%arg5 : memref<128xi32, #tpu.memory_space<vmem>>) target_semaphore(%run_scoped3A : memref<!tpu.dma_semaphore, #tpu.memory_space<semaphore_mem>>)
        %dma_wait3A_20 = tpu.memref_slice %arg3[%add3A_12] : memref<262144xi32, #tpu.memory_space<hbm>> -> memref<128xi32, #tpu.memory_space<hbm>>
        %dma_wait3A_21 = tpu.memref_slice %arg3[%add3A_12] : memref<262144xi32, #tpu.memory_space<hbm>> -> memref<128xi32, #tpu.memory_space<hbm>>
        tpu.wait_dma2 semaphore(%run_scoped3A : memref<!tpu.dma_semaphore, #tpu.memory_space<semaphore_mem>>) src(%dma_wait3A_21 : memref<128xi32, #tpu.memory_space<hbm>>) dst(%arg5 : memref<128xi32, #tpu.memory_space<vmem>>)
        tpu.yield
      }) : () -> ()
      %dma_start3A = arith.constant 0 : i32
      %dma_start3A_13 = arith.constant 0 : i32
      %dma_start3A_14 = tpu.memref_slice %arg2[%dma_start3A, %dma_start3A_13] : memref<4096x128xf32, #tpu.memory_space<hbm>> -> memref<4096x128xf32, #tpu.memory_space<hbm>>
      tpu.enqueue_indirect_dma source(%dma_start3A_14 : memref<4096x128xf32, #tpu.memory_space<hbm>>) target(%arg6 : memref<128x128xf32, #tpu.memory_space<vmem>>) offsets(%arg5 : memref<128xi32, #tpu.memory_space<vmem>>) semaphore(%arg7 : memref<!tpu.dma_semaphore, #tpu.memory_space<semaphore_mem>>)
      %dma_wait3A = arith.constant 0 : i32
      %dma_wait3A_15 = arith.constant 0 : i32
      %dma_wait3A_16 = tpu.memref_slice %arg2[%dma_wait3A, %dma_wait3A_15] : memref<4096x128xf32, #tpu.memory_space<hbm>> -> memref<4096x128xf32, #tpu.memory_space<hbm>>
      tpu.wait_indirect_dma semaphore(%arg7 : memref<!tpu.dma_semaphore, #tpu.memory_space<semaphore_mem>>) src(%dma_wait3A_16 : memref<4096x128xf32, #tpu.memory_space<hbm>>) dst(%arg6 : memref<128x128xf32, #tpu.memory_space<vmem>>)
      %add3A_17 = arith.addi %mul3A_2, %add3A_11 : i32
      "tpu.region"() ({
        %run_scoped3A = tpu.sem_alloc : memref<!tpu.dma_semaphore, #tpu.memory_space<semaphore_mem>>
        %dma_start3A_18 = arith.constant 0 : i32
        %dma_start3A_19 = tpu.memref_slice %arg4[%add3A_17, %dma_start3A_18] : memref<262144x128xf32, #tpu.memory_space<hbm>> -> memref<128x128xf32, #tpu.memory_space<hbm>>
        %dma_start3A_20 = arith.constant 0 : i32
        %dma_start3A_21 = tpu.memref_slice %arg4[%add3A_17, %dma_start3A_20] : memref<262144x128xf32, #tpu.memory_space<hbm>> -> memref<128x128xf32, #tpu.memory_space<hbm>>
        tpu.enqueue_dma source(%arg6 : memref<128x128xf32, #tpu.memory_space<vmem>>) target(%dma_start3A_21 : memref<128x128xf32, #tpu.memory_space<hbm>>) target_semaphore(%run_scoped3A : memref<!tpu.dma_semaphore, #tpu.memory_space<semaphore_mem>>)
        %dma_wait3A_22 = arith.constant 0 : i32
        %dma_wait3A_23 = tpu.memref_slice %arg4[%add3A_17, %dma_wait3A_22] : memref<262144x128xf32, #tpu.memory_space<hbm>> -> memref<128x128xf32, #tpu.memory_space<hbm>>
        %dma_wait3A_24 = arith.constant 0 : i32
        %dma_wait3A_25 = tpu.memref_slice %arg4[%add3A_17, %dma_wait3A_24] : memref<262144x128xf32, #tpu.memory_space<hbm>> -> memref<128x128xf32, #tpu.memory_space<hbm>>
        tpu.wait_dma2 semaphore(%run_scoped3A : memref<!tpu.dma_semaphore, #tpu.memory_space<semaphore_mem>>) src(%arg6 : memref<128x128xf32, #tpu.memory_space<vmem>>) dst(%dma_wait3A_25 : memref<128x128xf32, #tpu.memory_space<hbm>>)
        tpu.yield
      }) : () -> ()
    }
    %scan3A_6 = arith.constant 64 : i32
    return
  }
}

module attributes {stable_mosaic.version = 14 : i64} {
  func.func @_vq_idx_body(%arg0: i32, %arg1: memref<2048x128xf32, #tpu.memory_space<vmem>>, %arg2: memref<128x128xbf16, #tpu.memory_space<vmem>>, %arg3: memref<128x4096xbf16, #tpu.memory_space<vmem>>, %arg4: memref<4096x16xbf16, #tpu.memory_space<vmem>>, %arg5: memref<1x4096xf32, #tpu.memory_space<vmem>>, %arg6: memref<2048x16xi32, #tpu.memory_space<vmem>>) attributes {dimension_semantics = [#tpu.dimension_semantics<arbitrary>], iteration_bounds = array<i64: 8>, scalar_prefetch = 0 : i64, scratch_operands = 0 : i64, tpu.core_type = #tpu.core_type<tc>, window_params = [{transform_indices = @transform_0, window_bounds = array<i64: 2048, 128>}, {pipeline_mode = #tpu.pipeline_mode<synchronous>, transform_indices = @transform_1, window_bounds = array<i64: 128, 128>}, {pipeline_mode = #tpu.pipeline_mode<synchronous>, transform_indices = @transform_2, window_bounds = array<i64: 128, 4096>}, {pipeline_mode = #tpu.pipeline_mode<synchronous>, transform_indices = @transform_3, window_bounds = array<i64: 4096, 16>}, {pipeline_mode = #tpu.pipeline_mode<synchronous>, transform_indices = @transform_4, window_bounds = array<i64: 1, 4096>}, {transform_indices = @transform_5, window_bounds = array<i64: 2048, 16>}]} {
    %get3A = arith.constant 0 : index
    %get3A_0 = arith.constant 0 : index
    %get3A_1 = vector.load %arg2[%get3A, %get3A_0] : memref<128x128xbf16, #tpu.memory_space<vmem>>, vector<128x128xbf16>
    %get3A_2 = arith.constant 0 : index
    %get3A_3 = arith.constant 0 : index
    %get3A_4 = vector.load %arg3[%get3A_2, %get3A_3] : memref<128x4096xbf16, #tpu.memory_space<vmem>>, vector<128x4096xbf16>
    %get3A_5 = arith.constant 0 : index
    %get3A_6 = arith.constant 0 : index
    %get3A_7 = vector.load %arg4[%get3A_5, %get3A_6] : memref<4096x16xbf16, #tpu.memory_space<vmem>>, vector<4096x16xbf16>
    %get3A_8 = arith.constant 0 : index
    %get3A_9 = arith.constant 0 : index
    %get3A_10 = vector.load %arg5[%get3A_8, %get3A_9] : memref<1x4096xf32, #tpu.memory_space<vmem>>, vector<1x4096xf32>
    %get3A_11 = arith.constant 0 : index
    %get3A_12 = arith.constant 0 : index
    %get3A_13 = vector.load %arg1[%get3A_11, %get3A_12] : memref<2048x128xf32, #tpu.memory_space<vmem>>, vector<1024x128xf32>
    %convert_element_type3A = arith.truncf %get3A_13 : vector<1024x128xf32> to vector<1024x128xbf16>
    %dot_general3A = arith.constant dense<0.000000e+00> : vector<1024x128xf32>
    %dot_general3A_14 = tpu.matmul %convert_element_type3A, %get3A_1, %dot_general3A {dimension_numbers = #tpu.dot_dimension_numbers<[1], [0], [0], [1], [0, 0, 1, 1], [], []>, transpose_lhs_hint = false} : vector<1024x128xbf16>, vector<128x128xbf16>, vector<1024x128xf32> -> vector<1024x128xf32>
    %convert_element_type3A_15 = arith.truncf %dot_general3A_14 : vector<1024x128xf32> to vector<1024x128xbf16>
    %dot_general3A_16 = arith.constant dense<0.000000e+00> : vector<1024x4096xf32>
    %dot_general3A_17 = tpu.matmul %convert_element_type3A_15, %get3A_4, %dot_general3A_16 {dimension_numbers = #tpu.dot_dimension_numbers<[1], [0], [0], [1], [0, 0, 1, 1], [], []>, transpose_lhs_hint = false} : vector<1024x128xbf16>, vector<128x4096xbf16>, vector<1024x4096xf32> -> vector<1024x4096xf32>
    %add3A = vector.broadcast %get3A_10 : vector<1x4096xf32> to vector<1024x4096xf32>
    %add3A_18 = arith.addf %add3A, %dot_general3A_17 : vector<1024x4096xf32>
    %slice3A = vector.extract_strided_slice %add3A_18 {offsets = [0, 0], sizes = [1024, 256], strides = [1, 1]} : vector<1024x4096xf32> to vector<1024x256xf32>
    %reduce_min3A = arith.constant dense<0x7F800000> : vector<1024xf32>
    %reduce_min3A_19 = vector.multi_reduction <minimumf>, %slice3A, %reduce_min3A [1] : vector<1024x256xf32> to vector<1024xf32>
    %broadcast_in_dim3A = vector.shape_cast %reduce_min3A_19 : vector<1024xf32> to vector<1024x1xf32>
    %le3A = vector.broadcast %broadcast_in_dim3A : vector<1024x1xf32> to vector<1024x256xf32>
    %le3A_20 = arith.cmpf ole, %slice3A, %le3A : vector<1024x256xf32>
    %convert_element_type3A_21 = arith.extui %le3A_20 : vector<1024x256xi1> to vector<1024x256xi32>
    %convert_element_type3A_22 = arith.sitofp %convert_element_type3A_21 : vector<1024x256xi32> to vector<1024x256xf32>
    %convert_element_type3A_23 = arith.truncf %convert_element_type3A_22 : vector<1024x256xf32> to vector<1024x256xbf16>
    %slice3A_24 = vector.extract_strided_slice %add3A_18 {offsets = [0, 256], sizes = [1024, 256], strides = [1, 1]} : vector<1024x4096xf32> to vector<1024x256xf32>
    %reduce_min3A_25 = arith.constant dense<0x7F800000> : vector<1024xf32>
    %reduce_min3A_26 = vector.multi_reduction <minimumf>, %slice3A_24, %reduce_min3A_25 [1] : vector<1024x256xf32> to vector<1024xf32>
    %broadcast_in_dim3A_27 = vector.shape_cast %reduce_min3A_26 : vector<1024xf32> to vector<1024x1xf32>
    %le3A_28 = vector.broadcast %broadcast_in_dim3A_27 : vector<1024x1xf32> to vector<1024x256xf32>
    %le3A_29 = arith.cmpf ole, %slice3A_24, %le3A_28 : vector<1024x256xf32>
    %convert_element_type3A_30 = arith.extui %le3A_29 : vector<1024x256xi1> to vector<1024x256xi32>
    %convert_element_type3A_31 = arith.sitofp %convert_element_type3A_30 : vector<1024x256xi32> to vector<1024x256xf32>
    %convert_element_type3A_32 = arith.truncf %convert_element_type3A_31 : vector<1024x256xf32> to vector<1024x256xbf16>
    %slice3A_33 = vector.extract_strided_slice %add3A_18 {offsets = [0, 512], sizes = [1024, 256], strides = [1, 1]} : vector<1024x4096xf32> to vector<1024x256xf32>
    %reduce_min3A_34 = arith.constant dense<0x7F800000> : vector<1024xf32>
    %reduce_min3A_35 = vector.multi_reduction <minimumf>, %slice3A_33, %reduce_min3A_34 [1] : vector<1024x256xf32> to vector<1024xf32>
    %broadcast_in_dim3A_36 = vector.shape_cast %reduce_min3A_35 : vector<1024xf32> to vector<1024x1xf32>
    %le3A_37 = vector.broadcast %broadcast_in_dim3A_36 : vector<1024x1xf32> to vector<1024x256xf32>
    %le3A_38 = arith.cmpf ole, %slice3A_33, %le3A_37 : vector<1024x256xf32>
    %convert_element_type3A_39 = arith.extui %le3A_38 : vector<1024x256xi1> to vector<1024x256xi32>
    %convert_element_type3A_40 = arith.sitofp %convert_element_type3A_39 : vector<1024x256xi32> to vector<1024x256xf32>
    %convert_element_type3A_41 = arith.truncf %convert_element_type3A_40 : vector<1024x256xf32> to vector<1024x256xbf16>
    %slice3A_42 = vector.extract_strided_slice %add3A_18 {offsets = [0, 768], sizes = [1024, 256], strides = [1, 1]} : vector<1024x4096xf32> to vector<1024x256xf32>
    %reduce_min3A_43 = arith.constant dense<0x7F800000> : vector<1024xf32>
    %reduce_min3A_44 = vector.multi_reduction <minimumf>, %slice3A_42, %reduce_min3A_43 [1] : vector<1024x256xf32> to vector<1024xf32>
    %broadcast_in_dim3A_45 = vector.shape_cast %reduce_min3A_44 : vector<1024xf32> to vector<1024x1xf32>
    %le3A_46 = vector.broadcast %broadcast_in_dim3A_45 : vector<1024x1xf32> to vector<1024x256xf32>
    %le3A_47 = arith.cmpf ole, %slice3A_42, %le3A_46 : vector<1024x256xf32>
    %convert_element_type3A_48 = arith.extui %le3A_47 : vector<1024x256xi1> to vector<1024x256xi32>
    %convert_element_type3A_49 = arith.sitofp %convert_element_type3A_48 : vector<1024x256xi32> to vector<1024x256xf32>
    %convert_element_type3A_50 = arith.truncf %convert_element_type3A_49 : vector<1024x256xf32> to vector<1024x256xbf16>
    %slice3A_51 = vector.extract_strided_slice %add3A_18 {offsets = [0, 1024], sizes = [1024, 256], strides = [1, 1]} : vector<1024x4096xf32> to vector<1024x256xf32>
    %reduce_min3A_52 = arith.constant dense<0x7F800000> : vector<1024xf32>
    %reduce_min3A_53 = vector.multi_reduction <minimumf>, %slice3A_51, %reduce_min3A_52 [1] : vector<1024x256xf32> to vector<1024xf32>
    %broadcast_in_dim3A_54 = vector.shape_cast %reduce_min3A_53 : vector<1024xf32> to vector<1024x1xf32>
    %le3A_55 = vector.broadcast %broadcast_in_dim3A_54 : vector<1024x1xf32> to vector<1024x256xf32>
    %le3A_56 = arith.cmpf ole, %slice3A_51, %le3A_55 : vector<1024x256xf32>
    %convert_element_type3A_57 = arith.extui %le3A_56 : vector<1024x256xi1> to vector<1024x256xi32>
    %convert_element_type3A_58 = arith.sitofp %convert_element_type3A_57 : vector<1024x256xi32> to vector<1024x256xf32>
    %convert_element_type3A_59 = arith.truncf %convert_element_type3A_58 : vector<1024x256xf32> to vector<1024x256xbf16>
    %slice3A_60 = vector.extract_strided_slice %add3A_18 {offsets = [0, 1280], sizes = [1024, 256], strides = [1, 1]} : vector<1024x4096xf32> to vector<1024x256xf32>
    %reduce_min3A_61 = arith.constant dense<0x7F800000> : vector<1024xf32>
    %reduce_min3A_62 = vector.multi_reduction <minimumf>, %slice3A_60, %reduce_min3A_61 [1] : vector<1024x256xf32> to vector<1024xf32>
    %broadcast_in_dim3A_63 = vector.shape_cast %reduce_min3A_62 : vector<1024xf32> to vector<1024x1xf32>
    %le3A_64 = vector.broadcast %broadcast_in_dim3A_63 : vector<1024x1xf32> to vector<1024x256xf32>
    %le3A_65 = arith.cmpf ole, %slice3A_60, %le3A_64 : vector<1024x256xf32>
    %convert_element_type3A_66 = arith.extui %le3A_65 : vector<1024x256xi1> to vector<1024x256xi32>
    %convert_element_type3A_67 = arith.sitofp %convert_element_type3A_66 : vector<1024x256xi32> to vector<1024x256xf32>
    %convert_element_type3A_68 = arith.truncf %convert_element_type3A_67 : vector<1024x256xf32> to vector<1024x256xbf16>
    %slice3A_69 = vector.extract_strided_slice %add3A_18 {offsets = [0, 1536], sizes = [1024, 256], strides = [1, 1]} : vector<1024x4096xf32> to vector<1024x256xf32>
    %reduce_min3A_70 = arith.constant dense<0x7F800000> : vector<1024xf32>
    %reduce_min3A_71 = vector.multi_reduction <minimumf>, %slice3A_69, %reduce_min3A_70 [1] : vector<1024x256xf32> to vector<1024xf32>
    %broadcast_in_dim3A_72 = vector.shape_cast %reduce_min3A_71 : vector<1024xf32> to vector<1024x1xf32>
    %le3A_73 = vector.broadcast %broadcast_in_dim3A_72 : vector<1024x1xf32> to vector<1024x256xf32>
    %le3A_74 = arith.cmpf ole, %slice3A_69, %le3A_73 : vector<1024x256xf32>
    %convert_element_type3A_75 = arith.extui %le3A_74 : vector<1024x256xi1> to vector<1024x256xi32>
    %convert_element_type3A_76 = arith.sitofp %convert_element_type3A_75 : vector<1024x256xi32> to vector<1024x256xf32>
    %convert_element_type3A_77 = arith.truncf %convert_element_type3A_76 : vector<1024x256xf32> to vector<1024x256xbf16>
    %slice3A_78 = vector.extract_strided_slice %add3A_18 {offsets = [0, 1792], sizes = [1024, 256], strides = [1, 1]} : vector<1024x4096xf32> to vector<1024x256xf32>
    %reduce_min3A_79 = arith.constant dense<0x7F800000> : vector<1024xf32>
    %reduce_min3A_80 = vector.multi_reduction <minimumf>, %slice3A_78, %reduce_min3A_79 [1] : vector<1024x256xf32> to vector<1024xf32>
    %broadcast_in_dim3A_81 = vector.shape_cast %reduce_min3A_80 : vector<1024xf32> to vector<1024x1xf32>
    %le3A_82 = vector.broadcast %broadcast_in_dim3A_81 : vector<1024x1xf32> to vector<1024x256xf32>
    %le3A_83 = arith.cmpf ole, %slice3A_78, %le3A_82 : vector<1024x256xf32>
    %convert_element_type3A_84 = arith.extui %le3A_83 : vector<1024x256xi1> to vector<1024x256xi32>
    %convert_element_type3A_85 = arith.sitofp %convert_element_type3A_84 : vector<1024x256xi32> to vector<1024x256xf32>
    %convert_element_type3A_86 = arith.truncf %convert_element_type3A_85 : vector<1024x256xf32> to vector<1024x256xbf16>
    %slice3A_87 = vector.extract_strided_slice %add3A_18 {offsets = [0, 2048], sizes = [1024, 256], strides = [1, 1]} : vector<1024x4096xf32> to vector<1024x256xf32>
    %reduce_min3A_88 = arith.constant dense<0x7F800000> : vector<1024xf32>
    %reduce_min3A_89 = vector.multi_reduction <minimumf>, %slice3A_87, %reduce_min3A_88 [1] : vector<1024x256xf32> to vector<1024xf32>
    %broadcast_in_dim3A_90 = vector.shape_cast %reduce_min3A_89 : vector<1024xf32> to vector<1024x1xf32>
    %le3A_91 = vector.broadcast %broadcast_in_dim3A_90 : vector<1024x1xf32> to vector<1024x256xf32>
    %le3A_92 = arith.cmpf ole, %slice3A_87, %le3A_91 : vector<1024x256xf32>
    %convert_element_type3A_93 = arith.extui %le3A_92 : vector<1024x256xi1> to vector<1024x256xi32>
    %convert_element_type3A_94 = arith.sitofp %convert_element_type3A_93 : vector<1024x256xi32> to vector<1024x256xf32>
    %convert_element_type3A_95 = arith.truncf %convert_element_type3A_94 : vector<1024x256xf32> to vector<1024x256xbf16>
    %slice3A_96 = vector.extract_strided_slice %add3A_18 {offsets = [0, 2304], sizes = [1024, 256], strides = [1, 1]} : vector<1024x4096xf32> to vector<1024x256xf32>
    %reduce_min3A_97 = arith.constant dense<0x7F800000> : vector<1024xf32>
    %reduce_min3A_98 = vector.multi_reduction <minimumf>, %slice3A_96, %reduce_min3A_97 [1] : vector<1024x256xf32> to vector<1024xf32>
    %broadcast_in_dim3A_99 = vector.shape_cast %reduce_min3A_98 : vector<1024xf32> to vector<1024x1xf32>
    %le3A_100 = vector.broadcast %broadcast_in_dim3A_99 : vector<1024x1xf32> to vector<1024x256xf32>
    %le3A_101 = arith.cmpf ole, %slice3A_96, %le3A_100 : vector<1024x256xf32>
    %convert_element_type3A_102 = arith.extui %le3A_101 : vector<1024x256xi1> to vector<1024x256xi32>
    %convert_element_type3A_103 = arith.sitofp %convert_element_type3A_102 : vector<1024x256xi32> to vector<1024x256xf32>
    %convert_element_type3A_104 = arith.truncf %convert_element_type3A_103 : vector<1024x256xf32> to vector<1024x256xbf16>
    %slice3A_105 = vector.extract_strided_slice %add3A_18 {offsets = [0, 2560], sizes = [1024, 256], strides = [1, 1]} : vector<1024x4096xf32> to vector<1024x256xf32>
    %reduce_min3A_106 = arith.constant dense<0x7F800000> : vector<1024xf32>
    %reduce_min3A_107 = vector.multi_reduction <minimumf>, %slice3A_105, %reduce_min3A_106 [1] : vector<1024x256xf32> to vector<1024xf32>
    %broadcast_in_dim3A_108 = vector.shape_cast %reduce_min3A_107 : vector<1024xf32> to vector<1024x1xf32>
    %le3A_109 = vector.broadcast %broadcast_in_dim3A_108 : vector<1024x1xf32> to vector<1024x256xf32>
    %le3A_110 = arith.cmpf ole, %slice3A_105, %le3A_109 : vector<1024x256xf32>
    %convert_element_type3A_111 = arith.extui %le3A_110 : vector<1024x256xi1> to vector<1024x256xi32>
    %convert_element_type3A_112 = arith.sitofp %convert_element_type3A_111 : vector<1024x256xi32> to vector<1024x256xf32>
    %convert_element_type3A_113 = arith.truncf %convert_element_type3A_112 : vector<1024x256xf32> to vector<1024x256xbf16>
    %slice3A_114 = vector.extract_strided_slice %add3A_18 {offsets = [0, 2816], sizes = [1024, 256], strides = [1, 1]} : vector<1024x4096xf32> to vector<1024x256xf32>
    %reduce_min3A_115 = arith.constant dense<0x7F800000> : vector<1024xf32>
    %reduce_min3A_116 = vector.multi_reduction <minimumf>, %slice3A_114, %reduce_min3A_115 [1] : vector<1024x256xf32> to vector<1024xf32>
    %broadcast_in_dim3A_117 = vector.shape_cast %reduce_min3A_116 : vector<1024xf32> to vector<1024x1xf32>
    %le3A_118 = vector.broadcast %broadcast_in_dim3A_117 : vector<1024x1xf32> to vector<1024x256xf32>
    %le3A_119 = arith.cmpf ole, %slice3A_114, %le3A_118 : vector<1024x256xf32>
    %convert_element_type3A_120 = arith.extui %le3A_119 : vector<1024x256xi1> to vector<1024x256xi32>
    %convert_element_type3A_121 = arith.sitofp %convert_element_type3A_120 : vector<1024x256xi32> to vector<1024x256xf32>
    %convert_element_type3A_122 = arith.truncf %convert_element_type3A_121 : vector<1024x256xf32> to vector<1024x256xbf16>
    %slice3A_123 = vector.extract_strided_slice %add3A_18 {offsets = [0, 3072], sizes = [1024, 256], strides = [1, 1]} : vector<1024x4096xf32> to vector<1024x256xf32>
    %reduce_min3A_124 = arith.constant dense<0x7F800000> : vector<1024xf32>
    %reduce_min3A_125 = vector.multi_reduction <minimumf>, %slice3A_123, %reduce_min3A_124 [1] : vector<1024x256xf32> to vector<1024xf32>
    %broadcast_in_dim3A_126 = vector.shape_cast %reduce_min3A_125 : vector<1024xf32> to vector<1024x1xf32>
    %le3A_127 = vector.broadcast %broadcast_in_dim3A_126 : vector<1024x1xf32> to vector<1024x256xf32>
    %le3A_128 = arith.cmpf ole, %slice3A_123, %le3A_127 : vector<1024x256xf32>
    %convert_element_type3A_129 = arith.extui %le3A_128 : vector<1024x256xi1> to vector<1024x256xi32>
    %convert_element_type3A_130 = arith.sitofp %convert_element_type3A_129 : vector<1024x256xi32> to vector<1024x256xf32>
    %convert_element_type3A_131 = arith.truncf %convert_element_type3A_130 : vector<1024x256xf32> to vector<1024x256xbf16>
    %slice3A_132 = vector.extract_strided_slice %add3A_18 {offsets = [0, 3328], sizes = [1024, 256], strides = [1, 1]} : vector<1024x4096xf32> to vector<1024x256xf32>
    %reduce_min3A_133 = arith.constant dense<0x7F800000> : vector<1024xf32>
    %reduce_min3A_134 = vector.multi_reduction <minimumf>, %slice3A_132, %reduce_min3A_133 [1] : vector<1024x256xf32> to vector<1024xf32>
    %broadcast_in_dim3A_135 = vector.shape_cast %reduce_min3A_134 : vector<1024xf32> to vector<1024x1xf32>
    %le3A_136 = vector.broadcast %broadcast_in_dim3A_135 : vector<1024x1xf32> to vector<1024x256xf32>
    %le3A_137 = arith.cmpf ole, %slice3A_132, %le3A_136 : vector<1024x256xf32>
    %convert_element_type3A_138 = arith.extui %le3A_137 : vector<1024x256xi1> to vector<1024x256xi32>
    %convert_element_type3A_139 = arith.sitofp %convert_element_type3A_138 : vector<1024x256xi32> to vector<1024x256xf32>
    %convert_element_type3A_140 = arith.truncf %convert_element_type3A_139 : vector<1024x256xf32> to vector<1024x256xbf16>
    %slice3A_141 = vector.extract_strided_slice %add3A_18 {offsets = [0, 3584], sizes = [1024, 256], strides = [1, 1]} : vector<1024x4096xf32> to vector<1024x256xf32>
    %reduce_min3A_142 = arith.constant dense<0x7F800000> : vector<1024xf32>
    %reduce_min3A_143 = vector.multi_reduction <minimumf>, %slice3A_141, %reduce_min3A_142 [1] : vector<1024x256xf32> to vector<1024xf32>
    %broadcast_in_dim3A_144 = vector.shape_cast %reduce_min3A_143 : vector<1024xf32> to vector<1024x1xf32>
    %le3A_145 = vector.broadcast %broadcast_in_dim3A_144 : vector<1024x1xf32> to vector<1024x256xf32>
    %le3A_146 = arith.cmpf ole, %slice3A_141, %le3A_145 : vector<1024x256xf32>
    %convert_element_type3A_147 = arith.extui %le3A_146 : vector<1024x256xi1> to vector<1024x256xi32>
    %convert_element_type3A_148 = arith.sitofp %convert_element_type3A_147 : vector<1024x256xi32> to vector<1024x256xf32>
    %convert_element_type3A_149 = arith.truncf %convert_element_type3A_148 : vector<1024x256xf32> to vector<1024x256xbf16>
    %slice3A_150 = vector.extract_strided_slice %add3A_18 {offsets = [0, 3840], sizes = [1024, 256], strides = [1, 1]} : vector<1024x4096xf32> to vector<1024x256xf32>
    %reduce_min3A_151 = arith.constant dense<0x7F800000> : vector<1024xf32>
    %reduce_min3A_152 = vector.multi_reduction <minimumf>, %slice3A_150, %reduce_min3A_151 [1] : vector<1024x256xf32> to vector<1024xf32>
    %broadcast_in_dim3A_153 = vector.shape_cast %reduce_min3A_152 : vector<1024xf32> to vector<1024x1xf32>
    %le3A_154 = vector.broadcast %broadcast_in_dim3A_153 : vector<1024x1xf32> to vector<1024x256xf32>
    %le3A_155 = arith.cmpf ole, %slice3A_150, %le3A_154 : vector<1024x256xf32>
    %convert_element_type3A_156 = arith.extui %le3A_155 : vector<1024x256xi1> to vector<1024x256xi32>
    %convert_element_type3A_157 = arith.sitofp %convert_element_type3A_156 : vector<1024x256xi32> to vector<1024x256xf32>
    %convert_element_type3A_158 = arith.truncf %convert_element_type3A_157 : vector<1024x256xf32> to vector<1024x256xbf16>
    %concatenate3A = tpu.concatenate %convert_element_type3A_23, %convert_element_type3A_32, %convert_element_type3A_41, %convert_element_type3A_50, %convert_element_type3A_59, %convert_element_type3A_68, %convert_element_type3A_77, %convert_element_type3A_86, %convert_element_type3A_95, %convert_element_type3A_104, %convert_element_type3A_113, %convert_element_type3A_122, %convert_element_type3A_131, %convert_element_type3A_140, %convert_element_type3A_149, %convert_element_type3A_158 in 1 : vector<1024x256xbf16>, vector<1024x256xbf16>, vector<1024x256xbf16>, vector<1024x256xbf16>, vector<1024x256xbf16>, vector<1024x256xbf16>, vector<1024x256xbf16>, vector<1024x256xbf16>, vector<1024x256xbf16>, vector<1024x256xbf16>, vector<1024x256xbf16>, vector<1024x256xbf16>, vector<1024x256xbf16>, vector<1024x256xbf16>, vector<1024x256xbf16>, vector<1024x256xbf16> -> vector<1024x4096xbf16>
    %dot_general3A_159 = arith.constant dense<0.000000e+00> : vector<1024x16xf32>
    %dot_general3A_160 = tpu.matmul %concatenate3A, %get3A_7, %dot_general3A_159 {dimension_numbers = #tpu.dot_dimension_numbers<[1], [0], [0], [1], [0, 0, 1, 1], [], []>, transpose_lhs_hint = false} : vector<1024x4096xbf16>, vector<4096x16xbf16>, vector<1024x16xf32> -> vector<1024x16xf32>
    %convert_element_type3A_161 = arith.fptosi %dot_general3A_160 : vector<1024x16xf32> to vector<1024x16xi32>
    %swap3A = arith.constant 0 : index
    %swap3A_162 = arith.constant 0 : index
    %swap3A_163 = vector.load %arg6[%swap3A, %swap3A_162] : memref<2048x16xi32, #tpu.memory_space<vmem>>, vector<1024x16xi32>
    tpu.vector_store %arg6[%swap3A, %swap3A_162], %convert_element_type3A_161 {strides = array<i32>} : memref<2048x16xi32, #tpu.memory_space<vmem>>, vector<1024x16xi32>,
    %get3A_164 = arith.constant 1024 : index
    %get3A_165 = arith.constant 0 : index
    %get3A_166 = vector.load %arg1[%get3A_164, %get3A_165] : memref<2048x128xf32, #tpu.memory_space<vmem>>, vector<1024x128xf32>
    %convert_element_type3A_167 = arith.truncf %get3A_166 : vector<1024x128xf32> to vector<1024x128xbf16>
    %dot_general3A_168 = arith.constant dense<0.000000e+00> : vector<1024x128xf32>
    %dot_general3A_169 = tpu.matmul %convert_element_type3A_167, %get3A_1, %dot_general3A_168 {dimension_numbers = #tpu.dot_dimension_numbers<[1], [0], [0], [1], [0, 0, 1, 1], [], []>, transpose_lhs_hint = false} : vector<1024x128xbf16>, vector<128x128xbf16>, vector<1024x128xf32> -> vector<1024x128xf32>
    %convert_element_type3A_170 = arith.truncf %dot_general3A_169 : vector<1024x128xf32> to vector<1024x128xbf16>
    %dot_general3A_171 = arith.constant dense<0.000000e+00> : vector<1024x4096xf32>
    %dot_general3A_172 = tpu.matmul %convert_element_type3A_170, %get3A_4, %dot_general3A_171 {dimension_numbers = #tpu.dot_dimension_numbers<[1], [0], [0], [1], [0, 0, 1, 1], [], []>, transpose_lhs_hint = false} : vector<1024x128xbf16>, vector<128x4096xbf16>, vector<1024x4096xf32> -> vector<1024x4096xf32>
    %add3A_173 = vector.broadcast %get3A_10 : vector<1x4096xf32> to vector<1024x4096xf32>
    %add3A_174 = arith.addf %add3A_173, %dot_general3A_172 : vector<1024x4096xf32>
    %slice3A_175 = vector.extract_strided_slice %add3A_174 {offsets = [0, 0], sizes = [1024, 256], strides = [1, 1]} : vector<1024x4096xf32> to vector<1024x256xf32>
    %reduce_min3A_176 = arith.constant dense<0x7F800000> : vector<1024xf32>
    %reduce_min3A_177 = vector.multi_reduction <minimumf>, %slice3A_175, %reduce_min3A_176 [1] : vector<1024x256xf32> to vector<1024xf32>
    %broadcast_in_dim3A_178 = vector.shape_cast %reduce_min3A_177 : vector<1024xf32> to vector<1024x1xf32>
    %le3A_179 = vector.broadcast %broadcast_in_dim3A_178 : vector<1024x1xf32> to vector<1024x256xf32>
    %le3A_180 = arith.cmpf ole, %slice3A_175, %le3A_179 : vector<1024x256xf32>
    %convert_element_type3A_181 = arith.extui %le3A_180 : vector<1024x256xi1> to vector<1024x256xi32>
    %convert_element_type3A_182 = arith.sitofp %convert_element_type3A_181 : vector<1024x256xi32> to vector<1024x256xf32>
    %convert_element_type3A_183 = arith.truncf %convert_element_type3A_182 : vector<1024x256xf32> to vector<1024x256xbf16>
    %slice3A_184 = vector.extract_strided_slice %add3A_174 {offsets = [0, 256], sizes = [1024, 256], strides = [1, 1]} : vector<1024x4096xf32> to vector<1024x256xf32>
    %reduce_min3A_185 = arith.constant dense<0x7F800000> : vector<1024xf32>
    %reduce_min3A_186 = vector.multi_reduction <minimumf>, %slice3A_184, %reduce_min3A_185 [1] : vector<1024x256xf32> to vector<1024xf32>
    %broadcast_in_dim3A_187 = vector.shape_cast %reduce_min3A_186 : vector<1024xf32> to vector<1024x1xf32>
    %le3A_188 = vector.broadcast %broadcast_in_dim3A_187 : vector<1024x1xf32> to vector<1024x256xf32>
    %le3A_189 = arith.cmpf ole, %slice3A_184, %le3A_188 : vector<1024x256xf32>
    %convert_element_type3A_190 = arith.extui %le3A_189 : vector<1024x256xi1> to vector<1024x256xi32>
    %convert_element_type3A_191 = arith.sitofp %convert_element_type3A_190 : vector<1024x256xi32> to vector<1024x256xf32>
    %convert_element_type3A_192 = arith.truncf %convert_element_type3A_191 : vector<1024x256xf32> to vector<1024x256xbf16>
    %slice3A_193 = vector.extract_strided_slice %add3A_174 {offsets = [0, 512], sizes = [1024, 256], strides = [1, 1]} : vector<1024x4096xf32> to vector<1024x256xf32>
    %reduce_min3A_194 = arith.constant dense<0x7F800000> : vector<1024xf32>
    %reduce_min3A_195 = vector.multi_reduction <minimumf>, %slice3A_193, %reduce_min3A_194 [1] : vector<1024x256xf32> to vector<1024xf32>
    %broadcast_in_dim3A_196 = vector.shape_cast %reduce_min3A_195 : vector<1024xf32> to vector<1024x1xf32>
    %le3A_197 = vector.broadcast %broadcast_in_dim3A_196 : vector<1024x1xf32> to vector<1024x256xf32>
    %le3A_198 = arith.cmpf ole, %slice3A_193, %le3A_197 : vector<1024x256xf32>
    %convert_element_type3A_199 = arith.extui %le3A_198 : vector<1024x256xi1> to vector<1024x256xi32>
    %convert_element_type3A_200 = arith.sitofp %convert_element_type3A_199 : vector<1024x256xi32> to vector<1024x256xf32>
    %convert_element_type3A_201 = arith.truncf %convert_element_type3A_200 : vector<1024x256xf32> to vector<1024x256xbf16>
    %slice3A_202 = vector.extract_strided_slice %add3A_174 {offsets = [0, 768], sizes = [1024, 256], strides = [1, 1]} : vector<1024x4096xf32> to vector<1024x256xf32>
    %reduce_min3A_203 = arith.constant dense<0x7F800000> : vector<1024xf32>
    %reduce_min3A_204 = vector.multi_reduction <minimumf>, %slice3A_202, %reduce_min3A_203 [1] : vector<1024x256xf32> to vector<1024xf32>
    %broadcast_in_dim3A_205 = vector.shape_cast %reduce_min3A_204 : vector<1024xf32> to vector<1024x1xf32>
    %le3A_206 = vector.broadcast %broadcast_in_dim3A_205 : vector<1024x1xf32> to vector<1024x256xf32>
    %le3A_207 = arith.cmpf ole, %slice3A_202, %le3A_206 : vector<1024x256xf32>
    %convert_element_type3A_208 = arith.extui %le3A_207 : vector<1024x256xi1> to vector<1024x256xi32>
    %convert_element_type3A_209 = arith.sitofp %convert_element_type3A_208 : vector<1024x256xi32> to vector<1024x256xf32>
    %convert_element_type3A_210 = arith.truncf %convert_element_type3A_209 : vector<1024x256xf32> to vector<1024x256xbf16>
    %slice3A_211 = vector.extract_strided_slice %add3A_174 {offsets = [0, 1024], sizes = [1024, 256], strides = [1, 1]} : vector<1024x4096xf32> to vector<1024x256xf32>
    %reduce_min3A_212 = arith.constant dense<0x7F800000> : vector<1024xf32>
    %reduce_min3A_213 = vector.multi_reduction <minimumf>, %slice3A_211, %reduce_min3A_212 [1] : vector<1024x256xf32> to vector<1024xf32>
    %broadcast_in_dim3A_214 = vector.shape_cast %reduce_min3A_213 : vector<1024xf32> to vector<1024x1xf32>
    %le3A_215 = vector.broadcast %broadcast_in_dim3A_214 : vector<1024x1xf32> to vector<1024x256xf32>
    %le3A_216 = arith.cmpf ole, %slice3A_211, %le3A_215 : vector<1024x256xf32>
    %convert_element_type3A_217 = arith.extui %le3A_216 : vector<1024x256xi1> to vector<1024x256xi32>
    %convert_element_type3A_218 = arith.sitofp %convert_element_type3A_217 : vector<1024x256xi32> to vector<1024x256xf32>
    %convert_element_type3A_219 = arith.truncf %convert_element_type3A_218 : vector<1024x256xf32> to vector<1024x256xbf16>
    %slice3A_220 = vector.extract_strided_slice %add3A_174 {offsets = [0, 1280], sizes = [1024, 256], strides = [1, 1]} : vector<1024x4096xf32> to vector<1024x256xf32>
    %reduce_min3A_221 = arith.constant dense<0x7F800000> : vector<1024xf32>
    %reduce_min3A_222 = vector.multi_reduction <minimumf>, %slice3A_220, %reduce_min3A_221 [1] : vector<1024x256xf32> to vector<1024xf32>
    %broadcast_in_dim3A_223 = vector.shape_cast %reduce_min3A_222 : vector<1024xf32> to vector<1024x1xf32>
    %le3A_224 = vector.broadcast %broadcast_in_dim3A_223 : vector<1024x1xf32> to vector<1024x256xf32>
    %le3A_225 = arith.cmpf ole, %slice3A_220, %le3A_224 : vector<1024x256xf32>
    %convert_element_type3A_226 = arith.extui %le3A_225 : vector<1024x256xi1> to vector<1024x256xi32>
    %convert_element_type3A_227 = arith.sitofp %convert_element_type3A_226 : vector<1024x256xi32> to vector<1024x256xf32>
    %convert_element_type3A_228 = arith.truncf %convert_element_type3A_227 : vector<1024x256xf32> to vector<1024x256xbf16>
    %slice3A_229 = vector.extract_strided_slice %add3A_174 {offsets = [0, 1536], sizes = [1024, 256], strides = [1, 1]} : vector<1024x4096xf32> to vector<1024x256xf32>
    %reduce_min3A_230 = arith.constant dense<0x7F800000> : vector<1024xf32>
    %reduce_min3A_231 = vector.multi_reduction <minimumf>, %slice3A_229, %reduce_min3A_230 [1] : vector<1024x256xf32> to vector<1024xf32>
    %broadcast_in_dim3A_232 = vector.shape_cast %reduce_min3A_231 : vector<1024xf32> to vector<1024x1xf32>
    %le3A_233 = vector.broadcast %broadcast_in_dim3A_232 : vector<1024x1xf32> to vector<1024x256xf32>
    %le3A_234 = arith.cmpf ole, %slice3A_229, %le3A_233 : vector<1024x256xf32>
    %convert_element_type3A_235 = arith.extui %le3A_234 : vector<1024x256xi1> to vector<1024x256xi32>
    %convert_element_type3A_236 = arith.sitofp %convert_element_type3A_235 : vector<1024x256xi32> to vector<1024x256xf32>
    %convert_element_type3A_237 = arith.truncf %convert_element_type3A_236 : vector<1024x256xf32> to vector<1024x256xbf16>
    %slice3A_238 = vector.extract_strided_slice %add3A_174 {offsets = [0, 1792], sizes = [1024, 256], strides = [1, 1]} : vector<1024x4096xf32> to vector<1024x256xf32>
    %reduce_min3A_239 = arith.constant dense<0x7F800000> : vector<1024xf32>
    %reduce_min3A_240 = vector.multi_reduction <minimumf>, %slice3A_238, %reduce_min3A_239 [1] : vector<1024x256xf32> to vector<1024xf32>
    %broadcast_in_dim3A_241 = vector.shape_cast %reduce_min3A_240 : vector<1024xf32> to vector<1024x1xf32>
    %le3A_242 = vector.broadcast %broadcast_in_dim3A_241 : vector<1024x1xf32> to vector<1024x256xf32>
    %le3A_243 = arith.cmpf ole, %slice3A_238, %le3A_242 : vector<1024x256xf32>
    %convert_element_type3A_244 = arith.extui %le3A_243 : vector<1024x256xi1> to vector<1024x256xi32>
    %convert_element_type3A_245 = arith.sitofp %convert_element_type3A_244 : vector<1024x256xi32> to vector<1024x256xf32>
    %convert_element_type3A_246 = arith.truncf %convert_element_type3A_245 : vector<1024x256xf32> to vector<1024x256xbf16>
    %slice3A_247 = vector.extract_strided_slice %add3A_174 {offsets = [0, 2048], sizes = [1024, 256], strides = [1, 1]} : vector<1024x4096xf32> to vector<1024x256xf32>
    %reduce_min3A_248 = arith.constant dense<0x7F800000> : vector<1024xf32>
    %reduce_min3A_249 = vector.multi_reduction <minimumf>, %slice3A_247, %reduce_min3A_248 [1] : vector<1024x256xf32> to vector<1024xf32>
    %broadcast_in_dim3A_250 = vector.shape_cast %reduce_min3A_249 : vector<1024xf32> to vector<1024x1xf32>
    %le3A_251 = vector.broadcast %broadcast_in_dim3A_250 : vector<1024x1xf32> to vector<1024x256xf32>
    %le3A_252 = arith.cmpf ole, %slice3A_247, %le3A_251 : vector<1024x256xf32>
    %convert_element_type3A_253 = arith.extui %le3A_252 : vector<1024x256xi1> to vector<1024x256xi32>
    %convert_element_type3A_254 = arith.sitofp %convert_element_type3A_253 : vector<1024x256xi32> to vector<1024x256xf32>
    %convert_element_type3A_255 = arith.truncf %convert_element_type3A_254 : vector<1024x256xf32> to vector<1024x256xbf16>
    %slice3A_256 = vector.extract_strided_slice %add3A_174 {offsets = [0, 2304], sizes = [1024, 256], strides = [1, 1]} : vector<1024x4096xf32> to vector<1024x256xf32>
    %reduce_min3A_257 = arith.constant dense<0x7F800000> : vector<1024xf32>
    %reduce_min3A_258 = vector.multi_reduction <minimumf>, %slice3A_256, %reduce_min3A_257 [1] : vector<1024x256xf32> to vector<1024xf32>
    %broadcast_in_dim3A_259 = vector.shape_cast %reduce_min3A_258 : vector<1024xf32> to vector<1024x1xf32>
    %le3A_260 = vector.broadcast %broadcast_in_dim3A_259 : vector<1024x1xf32> to vector<1024x256xf32>
    %le3A_261 = arith.cmpf ole, %slice3A_256, %le3A_260 : vector<1024x256xf32>
    %convert_element_type3A_262 = arith.extui %le3A_261 : vector<1024x256xi1> to vector<1024x256xi32>
    %convert_element_type3A_263 = arith.sitofp %convert_element_type3A_262 : vector<1024x256xi32> to vector<1024x256xf32>
    %convert_element_type3A_264 = arith.truncf %convert_element_type3A_263 : vector<1024x256xf32> to vector<1024x256xbf16>
    %slice3A_265 = vector.extract_strided_slice %add3A_174 {offsets = [0, 2560], sizes = [1024, 256], strides = [1, 1]} : vector<1024x4096xf32> to vector<1024x256xf32>
    %reduce_min3A_266 = arith.constant dense<0x7F800000> : vector<1024xf32>
    %reduce_min3A_267 = vector.multi_reduction <minimumf>, %slice3A_265, %reduce_min3A_266 [1] : vector<1024x256xf32> to vector<1024xf32>
    %broadcast_in_dim3A_268 = vector.shape_cast %reduce_min3A_267 : vector<1024xf32> to vector<1024x1xf32>
    %le3A_269 = vector.broadcast %broadcast_in_dim3A_268 : vector<1024x1xf32> to vector<1024x256xf32>
    %le3A_270 = arith.cmpf ole, %slice3A_265, %le3A_269 : vector<1024x256xf32>
    %convert_element_type3A_271 = arith.extui %le3A_270 : vector<1024x256xi1> to vector<1024x256xi32>
    %convert_element_type3A_272 = arith.sitofp %convert_element_type3A_271 : vector<1024x256xi32> to vector<1024x256xf32>
    %convert_element_type3A_273 = arith.truncf %convert_element_type3A_272 : vector<1024x256xf32> to vector<1024x256xbf16>
    %slice3A_274 = vector.extract_strided_slice %add3A_174 {offsets = [0, 2816], sizes = [1024, 256], strides = [1, 1]} : vector<1024x4096xf32> to vector<1024x256xf32>
    %reduce_min3A_275 = arith.constant dense<0x7F800000> : vector<1024xf32>
    %reduce_min3A_276 = vector.multi_reduction <minimumf>, %slice3A_274, %reduce_min3A_275 [1] : vector<1024x256xf32> to vector<1024xf32>
    %broadcast_in_dim3A_277 = vector.shape_cast %reduce_min3A_276 : vector<1024xf32> to vector<1024x1xf32>
    %le3A_278 = vector.broadcast %broadcast_in_dim3A_277 : vector<1024x1xf32> to vector<1024x256xf32>
    %le3A_279 = arith.cmpf ole, %slice3A_274, %le3A_278 : vector<1024x256xf32>
    %convert_element_type3A_280 = arith.extui %le3A_279 : vector<1024x256xi1> to vector<1024x256xi32>
    %convert_element_type3A_281 = arith.sitofp %convert_element_type3A_280 : vector<1024x256xi32> to vector<1024x256xf32>
    %convert_element_type3A_282 = arith.truncf %convert_element_type3A_281 : vector<1024x256xf32> to vector<1024x256xbf16>
    %slice3A_283 = vector.extract_strided_slice %add3A_174 {offsets = [0, 3072], sizes = [1024, 256], strides = [1, 1]} : vector<1024x4096xf32> to vector<1024x256xf32>
    %reduce_min3A_284 = arith.constant dense<0x7F800000> : vector<1024xf32>
    %reduce_min3A_285 = vector.multi_reduction <minimumf>, %slice3A_283, %reduce_min3A_284 [1] : vector<1024x256xf32> to vector<1024xf32>
    %broadcast_in_dim3A_286 = vector.shape_cast %reduce_min3A_285 : vector<1024xf32> to vector<1024x1xf32>
    %le3A_287 = vector.broadcast %broadcast_in_dim3A_286 : vector<1024x1xf32> to vector<1024x256xf32>
    %le3A_288 = arith.cmpf ole, %slice3A_283, %le3A_287 : vector<1024x256xf32>
    %convert_element_type3A_289 = arith.extui %le3A_288 : vector<1024x256xi1> to vector<1024x256xi32>
    %convert_element_type3A_290 = arith.sitofp %convert_element_type3A_289 : vector<1024x256xi32> to vector<1024x256xf32>
    %convert_element_type3A_291 = arith.truncf %convert_element_type3A_290 : vector<1024x256xf32> to vector<1024x256xbf16>
    %slice3A_292 = vector.extract_strided_slice %add3A_174 {offsets = [0, 3328], sizes = [1024, 256], strides = [1, 1]} : vector<1024x4096xf32> to vector<1024x256xf32>
    %reduce_min3A_293 = arith.constant dense<0x7F800000> : vector<1024xf32>
    %reduce_min3A_294 = vector.multi_reduction <minimumf>, %slice3A_292, %reduce_min3A_293 [1] : vector<1024x256xf32> to vector<1024xf32>
    %broadcast_in_dim3A_295 = vector.shape_cast %reduce_min3A_294 : vector<1024xf32> to vector<1024x1xf32>
    %le3A_296 = vector.broadcast %broadcast_in_dim3A_295 : vector<1024x1xf32> to vector<1024x256xf32>
    %le3A_297 = arith.cmpf ole, %slice3A_292, %le3A_296 : vector<1024x256xf32>
    %convert_element_type3A_298 = arith.extui %le3A_297 : vector<1024x256xi1> to vector<1024x256xi32>
    %convert_element_type3A_299 = arith.sitofp %convert_element_type3A_298 : vector<1024x256xi32> to vector<1024x256xf32>
    %convert_element_type3A_300 = arith.truncf %convert_element_type3A_299 : vector<1024x256xf32> to vector<1024x256xbf16>
    %slice3A_301 = vector.extract_strided_slice %add3A_174 {offsets = [0, 3584], sizes = [1024, 256], strides = [1, 1]} : vector<1024x4096xf32> to vector<1024x256xf32>
    %reduce_min3A_302 = arith.constant dense<0x7F800000> : vector<1024xf32>
    %reduce_min3A_303 = vector.multi_reduction <minimumf>, %slice3A_301, %reduce_min3A_302 [1] : vector<1024x256xf32> to vector<1024xf32>
    %broadcast_in_dim3A_304 = vector.shape_cast %reduce_min3A_303 : vector<1024xf32> to vector<1024x1xf32>
    %le3A_305 = vector.broadcast %broadcast_in_dim3A_304 : vector<1024x1xf32> to vector<1024x256xf32>
    %le3A_306 = arith.cmpf ole, %slice3A_301, %le3A_305 : vector<1024x256xf32>
    %convert_element_type3A_307 = arith.extui %le3A_306 : vector<1024x256xi1> to vector<1024x256xi32>
    %convert_element_type3A_308 = arith.sitofp %convert_element_type3A_307 : vector<1024x256xi32> to vector<1024x256xf32>
    %convert_element_type3A_309 = arith.truncf %convert_element_type3A_308 : vector<1024x256xf32> to vector<1024x256xbf16>
    %slice3A_310 = vector.extract_strided_slice %add3A_174 {offsets = [0, 3840], sizes = [1024, 256], strides = [1, 1]} : vector<1024x4096xf32> to vector<1024x256xf32>
    %reduce_min3A_311 = arith.constant dense<0x7F800000> : vector<1024xf32>
    %reduce_min3A_312 = vector.multi_reduction <minimumf>, %slice3A_310, %reduce_min3A_311 [1] : vector<1024x256xf32> to vector<1024xf32>
    %broadcast_in_dim3A_313 = vector.shape_cast %reduce_min3A_312 : vector<1024xf32> to vector<1024x1xf32>
    %le3A_314 = vector.broadcast %broadcast_in_dim3A_313 : vector<1024x1xf32> to vector<1024x256xf32>
    %le3A_315 = arith.cmpf ole, %slice3A_310, %le3A_314 : vector<1024x256xf32>
    %convert_element_type3A_316 = arith.extui %le3A_315 : vector<1024x256xi1> to vector<1024x256xi32>
    %convert_element_type3A_317 = arith.sitofp %convert_element_type3A_316 : vector<1024x256xi32> to vector<1024x256xf32>
    %convert_element_type3A_318 = arith.truncf %convert_element_type3A_317 : vector<1024x256xf32> to vector<1024x256xbf16>
    %concatenate3A_319 = tpu.concatenate %convert_element_type3A_183, %convert_element_type3A_192, %convert_element_type3A_201, %convert_element_type3A_210, %convert_element_type3A_219, %convert_element_type3A_228, %convert_element_type3A_237, %convert_element_type3A_246, %convert_element_type3A_255, %convert_element_type3A_264, %convert_element_type3A_273, %convert_element_type3A_282, %convert_element_type3A_291, %convert_element_type3A_300, %convert_element_type3A_309, %convert_element_type3A_318 in 1 : vector<1024x256xbf16>, vector<1024x256xbf16>, vector<1024x256xbf16>, vector<1024x256xbf16>, vector<1024x256xbf16>, vector<1024x256xbf16>, vector<1024x256xbf16>, vector<1024x256xbf16>, vector<1024x256xbf16>, vector<1024x256xbf16>, vector<1024x256xbf16>, vector<1024x256xbf16>, vector<1024x256xbf16>, vector<1024x256xbf16>, vector<1024x256xbf16>, vector<1024x256xbf16> -> vector<1024x4096xbf16>
    %dot_general3A_320 = arith.constant dense<0.000000e+00> : vector<1024x16xf32>
    %dot_general3A_321 = tpu.matmul %concatenate3A_319, %get3A_7, %dot_general3A_320 {dimension_numbers = #tpu.dot_dimension_numbers<[1], [0], [0], [1], [0, 0, 1, 1], [], []>, transpose_lhs_hint = false} : vector<1024x4096xbf16>, vector<4096x16xbf16>, vector<1024x16xf32> -> vector<1024x16xf32>
    %convert_element_type3A_322 = arith.fptosi %dot_general3A_321 : vector<1024x16xf32> to vector<1024x16xi32>
    %swap3A_323 = arith.constant 1024 : index
    %swap3A_324 = arith.constant 0 : index
    %swap3A_325 = vector.load %arg6[%swap3A_323, %swap3A_324] : memref<2048x16xi32, #tpu.memory_space<vmem>>, vector<1024x16xi32>
    tpu.vector_store %arg6[%swap3A_323, %swap3A_324], %convert_element_type3A_322 {strides = array<i32>} : memref<2048x16xi32, #tpu.memory_space<vmem>>, vector<1024x16xi32>,
    return
  }
  func.func @transform_0(%arg0: i32) -> (i32, i32) {
    %c0_i32 = arith.constant 0 : i32
    %c0_i32_0 = arith.constant 0 : i32
    return %arg0, %c0_i32 : i32, i32
  }
  func.func @transform_1(%arg0: i32) -> (i32, i32) {
    %c0_i32 = arith.constant 0 : i32
    %c0_i32_0 = arith.constant 0 : i32
    %c0_i32_1 = arith.constant 0 : i32
    return %c0_i32, %c0_i32_0 : i32, i32
  }
  func.func @transform_2(%arg0: i32) -> (i32, i32) {
    %c0_i32 = arith.constant 0 : i32
    %c0_i32_0 = arith.constant 0 : i32
    %c0_i32_1 = arith.constant 0 : i32
    return %c0_i32, %c0_i32_0 : i32, i32
  }
  func.func @transform_3(%arg0: i32) -> (i32, i32) {
    %c0_i32 = arith.constant 0 : i32
    %c0_i32_0 = arith.constant 0 : i32
    %c0_i32_1 = arith.constant 0 : i32
    return %c0_i32, %c0_i32_0 : i32, i32
  }
  func.func @transform_4(%arg0: i32) -> (i32, i32) {
    %c0_i32 = arith.constant 0 : i32
    %c0_i32_0 = arith.constant 0 : i32
    %c0_i32_1 = arith.constant 0 : i32
    return %c0_i32, %c0_i32_0 : i32, i32
  }
  func.func @transform_5(%arg0: i32) -> (i32, i32) {
    %c0_i32 = arith.constant 0 : i32
    %c0_i32_0 = arith.constant 0 : i32
    return %arg0, %c0_i32 : i32, i32
  }
}

</mosaic_0001>

<sc_bundles>
// kernel: kernel.4.cloned.1.call-start
scs
__scs_entry_jumppad:
0x0: {  	(pc) =	sbr.rel $0x88, $3  }
0x1: {  	(tag) =	ssettag $0x0;
	lr =	simm.s32 $0x1  }
0x2: {  	[smem:$0x3F9D] =	sst lr;
	_ =	strace $0xD0000000  }
0x3: {  	_ = 	snop  }
0x4: {  	_ = 	snop  }
0x5: {  	_ = 	snop  }
0x6: {  	_ = 	snop  }
0x7: {  	_ = 	snop  }
__scs_overlays_trampoline_lowered:
0x8: {  	[smem:$0x3FAC] =	sst s0  }
0x9: {  	[smem:$0x3FAD] =	sst s1  }
0xa: {  	[smem:$0x3FAE] =	sst s2  }
0xb: {  	[smem:$0x3FAF] =	sst s3  }
0xc: {  	[smem:$0x3FB0] =	sst s4  }
0xd: {  	[smem:$0x3FB1] =	sst s5  }
0xe: {  	[smem:$0x3FB2] =	sst s6  }
0xf: {  	[smem:$0x3FB3] =	sst s7  }
0x10: {  	[smem:$0x3FB4] =	sst s8  }
0x11: {  	[smem:$0x3FB5] =	sst s9;
	s0 =	simm.s32 @!p0 $0x0  }
0x12: {  	s1 =	sld [smem:$0x3F9B];
	s0 =	simm.s32 @p0 $0x1  }
0x13: {  	[smem:$0x3FB6] =	sst s0;
	s0 =	simm.s32 @!p1 $0x0  }
0x14: {  	s2 =	sld [smem:$0x3F9A];
	s0 =	simm.s32 @p1 $0x1  }
0x15: {  	[smem:$0x3FB7] =	sst s0;
	s0 =	simm.s32 @!p2 $0x0  }
0x16: {  	s3 =	sld [smem:$0x3FDB];
	s0 =	simm.s32 @p2 $0x1  }
0x17: {  	s4 =	simm.s32 $0x1BF5;
	[smem:$0x3FB9] =	sst s0  }
0x18: {  	s0 =	sld [smem:$0x3F9C];
	_ =	swait.ge [sflag:s4], $0x0  }
0x19: {  	s7 =	sld [smem:$0x3F9D]  }
0x1a: {  	s8 =	sadd.s32 $0xFFFFE003, lr  }
0x1b: {  	s9 =	sadd.s32 $0xFFFFFEF7, lr;
	s5 =	simm.s32 $0xFFFFFFFF;
	p2 =	slt.u32 s8, $0xFFFFF086  }
0x1c: {  	p1 =	slt.u32 s9, $0xF7A;
	s5 =	simm.s32 @!p2 $0x0  }
0x1d: {  	s5 =	simm.s32 @p1 $0x1;
	p0 =	seq.s32 s7, s2  }
0x1e: {  	s7 =	smul.u32 @!p0 $0xF7A, s2;
	p2 =	seq.s32 @!p0 s5, $0x0  }
0x1f: {  	s9 =	smul.u32 $0xF7A, s1;
	s8 =	simm.s32 @!p0 $0x1BF5;
	p2 =	por !p2, p0  }
0x20: {  	[sflag:s8] =	ssyncset.s32 @!p0 $0xFFFFF086;
	s6 =	sadd.s32 @!p0 s3, s7;
	s7 =	simm.s32 @!p0 $0x108  }
0x21: {  	s3 =	sadd.s32 s3, s9;
	s6 =	sadd.s32 @!p0 $0x88, s6;
	s7 =	simm.s32 @p2 $0x1082  }
0x22: {  	[simem:s7], [sflag:s8] =	dma.local @!p0 [hbm:s6], $0xF7A  }
0x23: {  	s9 =	sor.u32 $0xD0000000, s2;
	s6 =	simm.s32 $0x108;
	_ =	swait.ge @!p0 [sflag:s8], $0x0  }
0x24: {  	s3 =	sadd.s32 $0x88, s3;
	s6 =	simm.s32 @!p1 $0x1082;
	[sflag:s4] =	ssyncset.s32 $0xFFFFF086  }
0x25: {  	[simem:s6], [sflag:s4] =	dma.local [hbm:s3], $0xF7A  }
0x26: {  	[smem:$0x3F9D] =	sst s1;
	(tag) =	ssettag s2;
	_ =	strace s9  }
0x27: {  	s1 =	sld [smem:$0x3FAD]  }
0x28: {  	s2 =	sld [smem:$0x3FAE]  }
0x29: {  	s4 =	sld [smem:$0x3FB0]  }
0x2a: {  	p0 =	seq.s32 s5, $0x0;
	s5 =	sld [smem:$0x3FB1]  }
0x2b: {  	s6 =	sld [smem:$0x3FB2]  }
0x2c: {  	s7 =	sld [smem:$0x3FB3]  }
0x2d: {  	s3 =	simm.s32 $0x108;
	s8 =	sld [smem:$0x3FB4]  }
0x2e: {  	s3 =	simm.s32 @!p0 $0x1082;
	s9 =	sld [smem:$0x3FB5]  }
0x2f: {  	lr =	sadd.s32 s0, s3;
	s0 =	sld [smem:$0x3FAC]  }
0x30: {  	s3 =	sld [smem:$0x3FAF]  }
0x31: {  	[smem:$0x3FB8] =	sst s10  }
0x32: {  	s10 =	sld [smem:$0x3FB6];
	_ =	sdelay $0x3  }
0x33: {  	p0 =	seq.s32 s10, $0x1;
	s10 =	sld [smem:$0x3FB8];
	_ =	sdelay $0x3  }
0x34: {  	[smem:$0x3FB8] =	sst s10  }
0x35: {  	s10 =	sld [smem:$0x3FB7];
	_ =	sdelay $0x3  }
0x36: {  	p1 =	seq.s32 s10, $0x1;
	s10 =	sld [smem:$0x3FB8];
	_ =	sdelay $0x3  }
0x37: {  	[smem:$0x3FB8] =	sst s10  }
0x38: {  	s10 =	sld [smem:$0x3FB9]  }
0x39: {  	_ = 	snop;
	(pc) =	sbr.ind lr, $3  }
0x3a: {  	_ = 	snop  }
0x3b: {  	_ = 	snop  }
0x3c: {  	p2 =	seq.s32 s10, $0x1;
	s10 =	sld [smem:$0x3FB8]  }
0x3d: {  	_ =	shalt  }
0x3e: {  	_ =	shalt  }
0x3f: {  	_ =	shalt  }
0x40: {  	_ =	shalt  }
0x41: {  	_ =	shalt  }
0x42: {  	_ =	shalt  }
0x43: {  	_ =	shalt  }
0x44: {  	_ =	shalt  }
0x45: {  	_ =	shalt  }
0x46: {  	_ =	shalt  }
0x47: {  	_ =	shalt  }
0x48: {  	_ =	shalt  }
0x49: {  	_ =	shalt  }
0x4a: {  	_ =	shalt  }
0x4b: {  	_ =	shalt  }
0x4c: {  	_ =	shalt  }
0x4d: {  	_ =	shalt  }
0x4e: {  	_ =	shalt  }
0x4f: {  	_ =	shalt  }
0x50: {  	_ =	shalt  }
0x51: {  	_ =	shalt  }
0x52: {  	_ =	shalt  }
0x53: {  	_ =	shalt  }
0x54: {  	_ =	shalt  }
0x55: {  	_ =	shalt  }
0x56: {  	_ =	shalt  }
0x57: {  	_ =	shalt  }
0x58: {  	_ =	shalt  }
0x59: {  	_ =	shalt  }
0x5a: {  	_ =	shalt  }
0x5b: {  	_ =	shalt  }
0x5c: {  	_ =	shalt  }
0x5d: {  	_ =	shalt  }
0x5e: {  	_ =	shalt  }
0x5f: {  	_ =	shalt  }
0x60: {  	_ =	shalt  }
0x61: {  	_ =	shalt  }
0x62: {  	_ =	shalt  }
0x63: {  	_ =	shalt  }
0x64: {  	_ =	shalt  }
0x65: {  	_ =	shalt  }
0x66: {  	_ =	shalt  }
0x67: {  	_ =	shalt  }
0x68: {  	_ =	shalt  }
0x69: {  	_ =	shalt  }
0x6a: {  	_ =	shalt  }
0x6b: {  	_ =	shalt  }
0x6c: {  	_ =	shalt  }
0x6d: {  	_ =	shalt  }
0x6e: {  	_ =	shalt  }
0x6f: {  	_ =	shalt  }
0x70: {  	_ =	shalt  }
0x71: {  	_ =	shalt  }
0x72: {  	_ =	shalt  }
0x73: {  	_ =	shalt  }
0x74: {  	_ =	shalt  }
0x75: {  	_ =	shalt  }
0x76: {  	_ =	shalt  }
0x77: {  	_ =	shalt  }
0x78: {  	_ =	shalt  }
0x79: {  	_ =	shalt  }
0x7a: {  	_ =	shalt  }
0x7b: {  	_ =	shalt  }
0x7c: {  	_ =	shalt  }
0x7d: {  	_ =	shalt  }
0x7e: {  	_ =	shalt  }
0x7f: {  	_ =	shalt  }
0x80: {  	_ =	shalt  }
0x81: {  	_ =	shalt  }
0x82: {  	_ =	shalt  }
0x83: {  	_ =	shalt  }
0x84: {  	_ =	shalt  }
0x85: {  	_ =	shalt  }
0x86: {  	_ =	shalt  }
0x87: {  	_ =	shalt  }
.Lfunc_end0:
.L_simem_size_0:
called_computation_lowered:
.L_overlay_start_0:
0x88: {  	s2 =	sld [smem:$0x3FD9]  }
0x89: {  	s3 =	sld [smem:$0x3FFE];
	_ =	sdelay $0x1  }
0x8a: {  	s1 =	srdreg.scid  }
0x8b: {  	s0 =	sand.u32 $0x1, s1  }
0x8c: {  	s16 =	sshll.u32 s0, $0xA;
	s2 =	sadd.s32 s3, s2  }
0x8d: {  	s2 =	sadd.s32 s2, s16  }
0x8e: {  	[smem:$0x3FC4] =	sst s2  }
0x8f: {  	_ = 	snop  }
0x90: {  	(tm) =	ssettm $0x1  }
0x91: {  	s17 =	sld [smem:$0x3FFB];
	_ =	sdelay $0x3  }
0x92: {  	_ =	strace s17  }
0x93: {  	s2 =	sld [smem:$0x3FFC];
	_ =	sdelay $0x3  }
0x94: {  	_ =	strace s2  }
0x95: {  	s2 =	sld [smem:$0x3FFD];
	_ =	sdelay $0x3  }
0x96: {  	_ =	strace s2  }
0x97: {  	_ =	strace $0x8FFFFFFF  }
0x98: {  	s18 =	sld [smem:$0x3FDB];
	_ =	sdelay $0x1  }
0x99: {  	s19 =	simm.s32 $_scs_section_size  }
0x9a: {  	s4 =	simm.s32 $_size__tile_overlayer_lowered;
	s5 =	simm.s32 $_tile_overlayer_lowered  }
0x9b: {  	s22 =	simm.s32 $0x1BFF;
	s21 =	sshll.u32 s5, $0x1;
	s2 =	sadd.s32 s19, s18  }
0x9c: {  	s6 =	simm.s32 $0x0;
	s20 =	sshll.u32 s4, $0x1;
	s4 =	sadd.s32 s21, s2  }
0x9d: {  	[timem:s6], [sflag:s22] =	dma.local [hbm:s4], s20  }
0x9e: {  	_ =	swait.ge [sflag:s22], s20  }
0x9f: {  	s3 =	ssub.s32 $0x0, s20;
	[sflag:s22] =	ssyncset.done $0x0  }
0xa0: {  	[sflag:s22] =	ssyncadd.s32 s3;
	_ =	sdelay $0x1  }
0xa1: {  	s23 =	simm.s32 $0x1B8B  }
0xa2: {  	_ =	swait.ge [sflag:s23], $0x1  }
0xa3: {  	[sflag:s23] =	ssyncset.done $0x0  }
0xa4: {  	s25 =	simm.s32 $0x1B8E;
	s24 =	sld [smem:$0x3FFE];
	[sflag:s23] =	ssyncadd.s32 $0xFFFFFFFF  }
0xa5: {  	s26 =	simm.s32 $execute0_lowered;
	[smem:$0x3FD2] =	sst s25  }
0xa6: {  	s4 =	sshll.u32 s26, $0x1;
	_ =	strace $0x80000046;
	[dreg:$0x1] =	wrdreg $0xFFFFFFFF  }
0xa7: {  	s28 =	simm.s32 $_size_execute0_lowered;
	s2 =	sadd.s32 s2, s4;
	[dreg:$0x0] =	wrdreg $0x0  }
0xa8: {  	s4 =	sshll.u32 s28, $0x1;
	[dreg:$0x2] =	wrdreg s2  }
0xa9: {  	[dreg:$0x3] =	wrdreg s4  }
0xaa: {  	[dreg:$0x4] =	wrdreg $0xC0  }
0xab: {  	_ =	task [dreg:s6], $0x5FFFF  }
0xac: {  	[dreg:$0x1] =	wrdreg $0xFFFFFFFF  }
0xad: {  	[dreg:$0x0] =	wrdreg $0x60  }
0xae: {  	[dreg:$0x2] =	wrdreg s24  }
0xaf: {  	[dreg:$0x3] =	wrdreg $0x9  }
0xb0: {  	_ =	task.clear_ibuf [dreg:s6], $0x4FFFF;
	_ =	strace $0x90000046  }
0xb1: {  	s29 =	simm.s32 $0x9;
	_ =	strace $0x80000048  }
0xb2: {  	_ =	swait.ge [sflag:s29], $0x1  }
0xb3: {  	[sflag:s29] =	ssyncadd.s32 $0xFFFFFFFF  }
0xb4: {  	_ =	strace $0x90000048  }
0xb5: {  	_ =	sfence  }
0xb6: {  	s30 =	sld [smem:$0x0];
	_ =	sdelay $0x2  }
0xb7: {  	s31 =	sshll.u32 s1, $0xD;
	s1 =	sshrl.u32 s1, $0x2  }
0xb8: {  	s3 =	sand.u32 $0x4000, s31;
	s1 =	sadd.s32 s1, s30  }
0xb9: {  	s0 =	sor.u32 s3, s0;
	s1 =	sshll.u32 s1, $0x11  }
0xba: {  	s0 =	sor.u32 s1, s0  }
0xbb: {  	s0 =	sadd.s32 $0x8F2B, s0  }
0xbc: {  	[sflag:s0] =	ssyncadd.remote.s32 $0x1  }
0xbd: {  	_ =	sfence.sel $0xFFFF  }
0xbe: {  	[dreg:$0x0] =	wrdreg $0xFFFFFFFF;
	(pc) =	sbr.abs _section_cstart, $3  }
0xbf: {  	[dreg:$0x1] =	wrdreg $0xFFFFFFFF  }
0xc0: {  	_ =	task.clear_ibuf [dreg:s6], $0x2FFFF;
	_ =	strace $0x9FFFFFFF  }
0xc1: {  	(tm) =	ssettm $0x7FFFFFFF  }
tec
execute0_lowered:
.L_overlay_start_1:
0x0: {  	(tag) =	ssettag $0x1  }
0x1: {  	s4 =	rddreg [dreg:$0x0]  }
0x2: {  	s0 =	rddreg [dreg:$0x1];
	s2 =	simm.s32 $0x0;
	s3 =	srdreg.scid  }
0x3: {  	s1 =	stileid.u32;
	s10 =	simm.s32 $0x0;
	[smem:$0x7FF] =	sst s2  }
0x4: {  	s5 =	sand.u32 $0x1, s3;
	s6 =	sshll.u32 s1, $0xE;
	s3 =	sadd.s32 $0x8800, s4  }
0x5: {  	s8 =	sshll.u32 s1, $0x12;
	_ =	strace $0x80000047;
	s7 =	sshll.u32 s5, $0xD  }
0x6: {  	s31 =	ssub.s32 $0x2, s5;
	s8 =	sadd.s32 s8, s4;
	s5 =	sshll.u32 s5, $0x11  }
0x7: {  	s6 =	sor.u32 s7, s6;
	s9 =	sshrl.u32 s31, $0x1;
	s5 =	sadd.s32 s5, s8  }
0x8: {  	s8 =	simm.s32 $0x80;
	s6 =	sshrl.u32 s6, $0x3;
	s7 =	ssub.s32 s31, s9  }
0x9: {  	s5 =	sadd.s32 $0x18800, s5;
	s9 =	simm.s32 $0x1;
	s6 =	sadd.s32 s6, s4  }
0xa: {  	s4 =	smax.u32 s7, $0x1;
	s7 =	simm.s32 $0x2;
	s6 =	sadd.s32 $0x800, s6  }
.LBB2_1:
0xb: {  	s11 =	sadd.s32 $0x0, s6  }
0xc: {  	[tilespmem:s2], [sflag:$0x2] =	stream.linear.gather [hbm4b:s11+s2], $0x80, $0x38;
	[tilespmem:$0x4080] =	vst v63  }
0xd: {  	_ =	swait.ge [sflag:s7], $0x80  }
0xe: {  	[sflag:s7] =	ssyncset.done $0x0  }
0xf: {  	[sflag:s7] =	ssyncadd.s32 $0xFFFFFF80  }
0x10: {  	[tilespmem:s8], [sflag:$0x1] =	stream.indirect.gather [hbm4b:s3+s8], $0x80, s2, s8, $0xb8;
	[tilespmem:$0x4080] =	vst v63  }
0x11: {  	_ =	swait.ge [sflag:s9], $0x4000  }
0x12: {  	[sflag:s9] =	ssyncset.done $0x0  }
0x13: {  	[sflag:s9] =	ssyncadd.s32 $0xFFFFC000  }
0x14: {  	[hbm4b:s5+s2] =	stream.linear.scatter [tilespmem:s8], [sflag:$0x2], $0x4000, $0x38;
	[tilespmem:$0x4080] =	vst v63  }
0x15: {  	s12 =	simm.s32 $0x10;
	_ =	swait.ge [sflag:s7], $0x4000  }
0x16: {  	s13 =	simm.s32 $0x20;
	s11 =	sadd.s32 $0x800, s5;
	[sflag:s7] =	ssyncset.done $0x0  }
.LBB2_2:
0x17: {  	s14 =	sadd.s32 s12, s6  }
0x18: {  	[sflag:s7] =	ssyncadd.s32 $0xFFFFC000;
	s12 =	smov.u32 s13;
	s15 =	sadd.s32 $0x10, s13  }
0x19: {  	[tilespmem:s2], [sflag:$0x2] =	stream.linear.gather [hbm4b:s14+s2], $0x80, $0x38;
	[tilespmem:$0x4080] =	vst v63  }
0x1a: {  	p0 =	sne.s32 s13, $0x3F0;
	_ =	swait.ge [sflag:s7], $0x80  }
0x1b: {  	[sflag:s7] =	ssyncset.done $0x0  }
0x1c: {  	[sflag:s7] =	ssyncadd.s32 $0xFFFFFF80  }
0x1d: {  	[tilespmem:s8], [sflag:$0x1] =	stream.indirect.gather [hbm4b:s3+s8], $0x80, s2, s8, $0xb8;
	[tilespmem:$0x4080] =	vst v63  }
0x1e: {  	_ =	swait.ge [sflag:s9], $0x4000  }
.Ltmp0:
0x1f: {  	[sflag:s9] =	ssyncset.done $0x0;
	(pc) =	sbr.rel @p0 .LBB2_2-.Ltmp0, $4  }
0x20: {  	[sflag:s9] =	ssyncadd.s32 $0xFFFFC000  }
0x21: {  	[hbm4b:s11+s2] =	stream.linear.scatter [tilespmem:s8], [sflag:$0x2], $0x4000, $0x38;
	[tilespmem:$0x4080] =	vst v63  }
0x22: {  	_ =	swait.ge [sflag:s7], $0x4000  }
0x23: {  	s13 =	smov.u32 s15;
	s11 =	sadd.s32 $0x800, s11;
	[sflag:s7] =	ssyncset.done $0x0  }
0x24: {  	s12 =	sadd.s32 s12, s6;
	[sflag:s7] =	ssyncadd.s32 $0xFFFFC000  }
0x25: {  	[tilespmem:s2], [sflag:$0x2] =	stream.linear.gather [hbm4b:s12+s2], $0x80, $0x38;
	[tilespmem:$0x4080] =	vst v63  }
0x26: {  	_ =	swait.ge [sflag:s7], $0x80  }
0x27: {  	[sflag:s7] =	ssyncset.done $0x0  }
0x28: {  	[sflag:s7] =	ssyncadd.s32 $0xFFFFFF80  }
0x29: {  	[tilespmem:s8], [sflag:$0x1] =	stream.indirect.gather [hbm4b:s3+s8], $0x80, s2, s8, $0xb8;
	[tilespmem:$0x4080] =	vst v63  }
0x2a: {  	s10 =	sadd.s32 $0x1, s10;
	_ =	swait.ge [sflag:s9], $0x4000  }
0x2b: {  	p0 =	sne.s32 s10, s4;
	[sflag:s9] =	ssyncset.done $0x0  }
.Ltmp1:
0x2c: {  	[sflag:s9] =	ssyncadd.s32 $0xFFFFC000;
	(pc) =	sbr.rel @p0 .LBB2_1-.Ltmp1, $4  }
0x2d: {  	[hbm4b:s11+s2] =	stream.linear.scatter [tilespmem:s8], [sflag:$0x2], $0x4000, $0x38;
	[tilespmem:$0x4080] =	vst v63  }
0x2e: {  	_ =	swait.ge [sflag:s7], $0x4000  }
0x2f: {  	[sflag:s7] =	ssyncset.done $0x0  }
0x30: {  	[sflag:s7] =	ssyncadd.s32 $0xFFFFC000  }
0x31: {  	_ =	sfence.sel $0x180000  }
0x32: {  	[bflag:$0x0] =	sbarrier.arrive $0xFFFF  }
0x33: {  	p0 =	sne.s32 s1, $0x0;
	_ =	strace $0x90000047  }
0x34: {  	s0 =	sadd.s32 @!p0 $0x100000, s0;
	[bflag:$0x2] =	sbarrier.arrive $0xFFFF  }
0x35: {  	[sflag:s0] =	ssyncadd.tile.s32 @!p0 $0x1;
	_ =	shalt  }
.Lfunc_end2:
_tile_overlayer_lowered:
.L_overlay_start_2:
0x36: {  	(tag) =	ssettag $0x2  }
0x37: {  	s0 =	rddreg [dreg:$0x0];
	s2 =	stileid.u32  }
0x38: {  	s1 =	rddreg [dreg:$0x1];
	p0 =	sne.s32 s2, $0x0  }
0x39: {  	s3 =	rddreg [dreg:$0x2];
	[bflag:$0x3] =	sbarrier.arrive $0xFFFF;
	s2 =	simm.s32 @!p0 $0x1C02  }
0x3a: {  	[timem:s3], [sflag:s2] =	dma.local @!p0 [hbm:s0], s1  }
0x3b: {  	s0 =	simm.s32 @!p0 $0x2  }
0x3c: {  	_ =	swait.ge @!p0 [sflag:s0], s1  }
0x3d: {  	s1 =	ssub.s32 @!p0 $0x0, s1;
	[sflag:s0] =	ssyncset.done @!p0 $0x0  }
0x3e: {  	[sflag:s0] =	ssyncadd.s32 @!p0 s1  }
0x3f: {  	[bflag:$0x3] =	sbarrier.arrive $0xFFFF  }
0x40: {  	_ =	shalt  }

</sc_bundles>
